<compile_context>
chip_gen: v7x
topology: tpu7x:2x2x1
jax: 0.10.2.dev20260603
libtpu: 0.0.44.dev20260713+nightly
codegen_flags: <defaults>
</compile_context>

<pallas_src>
import functools

import jax
import jax.numpy as jnp
from jax import lax
from jax.experimental import pallas as pl
from jax.experimental.pallas import tpu as pltpu
from jax.experimental.pallas import tpu_sc as plsc

VOCAB = 8192
D = 8192
B_TOTAL = 8192
NC = 2
NS = 16
NW = NC * NS
ROWS_PER_W = B_TOTAL // NW
CH = 4
NCHUNK = ROWS_PER_W // CH
NBUF = 3


def _gather_body(idx_hbm, table_hbm, out_hbm,
                 idx_v, buf0, buf1, buf2,
                 gsem0, gsem1, gsem2, ssem0, ssem1, ssem2):
    wid = lax.axis_index("s") * NC + lax.axis_index("c")
    base = wid * ROWS_PER_W

    pltpu.sync_copy(idx_hbm.at[wid], idx_v)

    bufs = (buf0, buf1, buf2)
    gsems = (gsem0, gsem1, gsem2)
    ssems = (ssem0, ssem1, ssem2)

    def issue_gather(c, b):
        pltpu.async_copy(table_hbm.at[idx_v.at[c]], bufs[b], gsems[b])

    def wait_gather(c, b):
        pltpu.make_async_copy(
            table_hbm.at[idx_v.at[c]], bufs[b], gsems[b]).wait()

    def issue_scatter(c, b):
        pltpu.async_copy(
            bufs[b], out_hbm.at[pl.ds(base + c * CH, CH)], ssems[b])

    def wait_scatter(b):
        pltpu.make_async_copy(
            bufs[b], out_hbm.at[pl.ds(base, CH)], ssems[b]).wait()

    def step(c, j):
        b2 = (j + 2) % NBUF
        wait_gather(c, j)
        issue_scatter(c, j)

        @pl.when(c + 2 < NCHUNK)
        def _():
            @pl.when(c >= 1)
            def _():
                wait_scatter(b2)
            issue_gather(c + 2, b2)

    issue_gather(0, 0)
    issue_gather(1, 1)

    def group(g, carry):
        for j in range(NBUF):
            step(NBUF * g + j, j)
        return carry

    lax.fori_loop(0, (NCHUNK - 1) // NBUF, group, 0)

    last = NCHUNK - 1
    wait_gather(last, last % NBUF)
    issue_scatter(last, last % NBUF)
    for b in range(NBUF):
        wait_scatter(b)


_sc_gather = functools.partial(
    pl.kernel,
    out_type=jax.ShapeDtypeStruct((B_TOTAL, D), jnp.float32),
    mesh=plsc.VectorSubcoreMesh(core_axis_name="c", subcore_axis_name="s"),
    scratch_types=[
        pltpu.VMEM((NCHUNK, CH), jnp.int32),
        pltpu.VMEM((CH, D), jnp.float32),
        pltpu.VMEM((CH, D), jnp.float32),
        pltpu.VMEM((CH, D), jnp.float32),
        pltpu.SemaphoreType.DMA,
        pltpu.SemaphoreType.DMA,
        pltpu.SemaphoreType.DMA,
        pltpu.SemaphoreType.DMA,
        pltpu.SemaphoreType.DMA,
        pltpu.SemaphoreType.DMA,
    ],
)(_gather_body)


@jax.jit
def kernel(idx, table):
    idx_blocks = idx.reshape(NW, NCHUNK, CH).astype(jnp.int32)
    out = _sc_gather(idx_blocks, table)
    return out.reshape(idx.shape[0], idx.shape[1], D)

# --- scband reference (transcript-rebuilt; emitter-appended) ---
"""Pipeline reference for scband-bigram-language-model-30983894073770 (READ-ONLY COPY).

The authoritative reference and input builder live on the scoring server;
editing this copy changes nothing except your own understanding.
"""

import jax, jax.numpy as jnp
import numpy as np

VOCAB = 8192
BATCH = 4
SEQ = 2048

def setup_inputs(seed: int = 0) -> dict:
    key = jax.random.key(seed)
    k_idx, k_tab = jax.random.split(key)
    idx = jax.random.randint(k_idx, (BATCH, SEQ), 0, VOCAB, dtype=jnp.int64 if jax.config.read('jax_enable_x64') else jnp.int32)
    table = jax.random.normal(k_tab, (VOCAB, VOCAB), dtype=jnp.float32) * 0.02
    return {"idx": idx, "table": table}

def reference(idx, table):
    # BigramLanguageModel.forward with targets=None:
    # logits = token_embedding_table(idx); loss = None
    logits = jnp.take(table, idx, axis=0)  # [B, S, vocab]
    return logits

if __name__ == "__main__":
    import jax
    _d = setup_inputs()
    print(jax.jit(kernel)(*tuple(_d.values())))

</pallas_src>

<mosaic_0001>
#map = affine_map<(d0, d1) -> (0, 0, 0)>
#map1 = affine_map<(d0, d1) -> (0, 0)>
module attributes {stable_mosaic.version = 14 : i64} {
  func.func @_gather_body(%arg0: i32, %arg1: i32, %arg2: memref<32x64x4xi32, #tpu.memory_space<hbm>>, %arg3: memref<8192x8192xf32, #tpu.memory_space<hbm>>, %arg4: memref<8192x8192xf32, #tpu.memory_space<hbm>>, %arg5: memref<64x4xi32, #tpu.memory_space<vmem>>, %arg6: memref<4x8192xf32, #tpu.memory_space<vmem>>, %arg7: memref<4x8192xf32, #tpu.memory_space<vmem>>, %arg8: memref<4x8192xf32, #tpu.memory_space<vmem>>, %arg9: memref<!tpu.dma_semaphore, #tpu.memory_space<semaphore_mem>>, %arg10: memref<!tpu.dma_semaphore, #tpu.memory_space<semaphore_mem>>, %arg11: memref<!tpu.dma_semaphore, #tpu.memory_space<semaphore_mem>>, %arg12: memref<!tpu.dma_semaphore, #tpu.memory_space<semaphore_mem>>, %arg13: memref<!tpu.dma_semaphore, #tpu.memory_space<semaphore_mem>>, %arg14: memref<!tpu.dma_semaphore, #tpu.memory_space<semaphore_mem>>) attributes {dimension_semantics = [#tpu.dimension_semantics<core_parallel>, #tpu.dimension_semantics<subcore_parallel>], iteration_bounds = array<i64: 2, 16>, scalar_prefetch = 0 : i64, scratch_operands = 10 : i64, tpu.core_type = #tpu.core_type<sc_vector_subcore>, window_params = [{transform_indices = #map}, {transform_indices = #map1}, {transform_indices = #map1}]} {
    %mul3A = arith.constant 2 : i32
    %mul3A_0 = arith.muli %arg1, %mul3A : i32
    %add3A = arith.addi %mul3A_0, %arg0 : i32
    %mul3A_1 = arith.constant 256 : i32
    %mul3A_2 = arith.muli %add3A, %mul3A_1 : i32
    "tpu.region"() ({
      %run_scoped3A = tpu.sem_alloc : memref<!tpu.dma_semaphore, #tpu.memory_space<semaphore_mem>>
      %dma_start3A_45 = arith.constant 0 : i32
      %dma_start3A_46 = arith.constant 0 : i32
      %dma_start3A_47 = tpu.memref_slice %arg2[%add3A, %dma_start3A_45, %dma_start3A_46] : memref<32x64x4xi32, #tpu.memory_space<hbm>> -> memref<1x64x4xi32, #tpu.memory_space<hbm>>
      %dma_start3A_48 = tpu.memref_squeeze %dma_start3A_47 : memref<1x64x4xi32, #tpu.memory_space<hbm>> -> memref<64x4xi32, #tpu.memory_space<hbm>>
      %dma_start3A_49 = arith.constant 0 : i32
      %dma_start3A_50 = arith.constant 0 : i32
      %dma_start3A_51 = tpu.memref_slice %arg2[%add3A, %dma_start3A_49, %dma_start3A_50] : memref<32x64x4xi32, #tpu.memory_space<hbm>> -> memref<1x64x4xi32, #tpu.memory_space<hbm>>
      %dma_start3A_52 = tpu.memref_squeeze %dma_start3A_51 : memref<1x64x4xi32, #tpu.memory_space<hbm>> -> memref<64x4xi32, #tpu.memory_space<hbm>>
      tpu.enqueue_dma source(%dma_start3A_52 : memref<64x4xi32, #tpu.memory_space<hbm>>) target(%arg5 : memref<64x4xi32, #tpu.memory_space<vmem>>) target_semaphore(%run_scoped3A : memref<!tpu.dma_semaphore, #tpu.memory_space<semaphore_mem>>)
      %dma_wait3A_53 = arith.constant 0 : i32
      %dma_wait3A_54 = arith.constant 0 : i32
      %dma_wait3A_55 = tpu.memref_slice %arg2[%add3A, %dma_wait3A_53, %dma_wait3A_54] : memref<32x64x4xi32, #tpu.memory_space<hbm>> -> memref<1x64x4xi32, #tpu.memory_space<hbm>>
      %dma_wait3A_56 = tpu.memref_squeeze %dma_wait3A_55 : memref<1x64x4xi32, #tpu.memory_space<hbm>> -> memref<64x4xi32, #tpu.memory_space<hbm>>
      %dma_wait3A_57 = arith.constant 0 : i32
      %dma_wait3A_58 = arith.constant 0 : i32
      %dma_wait3A_59 = tpu.memref_slice %arg2[%add3A, %dma_wait3A_57, %dma_wait3A_58] : memref<32x64x4xi32, #tpu.memory_space<hbm>> -> memref<1x64x4xi32, #tpu.memory_space<hbm>>
      %dma_wait3A_60 = tpu.memref_squeeze %dma_wait3A_59 : memref<1x64x4xi32, #tpu.memory_space<hbm>> -> memref<64x4xi32, #tpu.memory_space<hbm>>
      tpu.wait_dma2 semaphore(%run_scoped3A : memref<!tpu.dma_semaphore, #tpu.memory_space<semaphore_mem>>) src(%dma_wait3A_60 : memref<64x4xi32, #tpu.memory_space<hbm>>) dst(%arg5 : memref<64x4xi32, #tpu.memory_space<vmem>>)
      tpu.yield
    }) : () -> ()
    %dma_start3A = arith.constant 0 : i32
    %dma_start3A_3 = arith.constant 0 : i32
    %dma_start3A_4 = tpu.memref_slice %arg5[%dma_start3A, %dma_start3A_3] : memref<64x4xi32, #tpu.memory_space<vmem>> -> memref<1x4xi32, #tpu.memory_space<vmem>>
    %dma_start3A_5 = tpu.memref_squeeze %dma_start3A_4 : memref<1x4xi32, #tpu.memory_space<vmem>> -> memref<4xi32, #tpu.memory_space<vmem>>
    %dma_start3A_6 = arith.constant 0 : i32
    %dma_start3A_7 = arith.constant 0 : i32
    %dma_start3A_8 = tpu.memref_slice %arg3[%dma_start3A_6, %dma_start3A_7] : memref<8192x8192xf32, #tpu.memory_space<hbm>> -> memref<8192x8192xf32, #tpu.memory_space<hbm>>
    tpu.enqueue_indirect_dma source(%dma_start3A_8 : memref<8192x8192xf32, #tpu.memory_space<hbm>>) target(%arg6 : memref<4x8192xf32, #tpu.memory_space<vmem>>) offsets(%dma_start3A_5 : memref<4xi32, #tpu.memory_space<vmem>>) semaphore(%arg9 : memref<!tpu.dma_semaphore, #tpu.memory_space<semaphore_mem>>)
    %dma_start3A_9 = arith.constant 1 : i32
    %dma_start3A_10 = arith.constant 0 : i32
    %dma_start3A_11 = tpu.memref_slice %arg5[%dma_start3A_9, %dma_start3A_10] : memref<64x4xi32, #tpu.memory_space<vmem>> -> memref<1x4xi32, #tpu.memory_space<vmem>>
    %dma_start3A_12 = tpu.memref_squeeze %dma_start3A_11 : memref<1x4xi32, #tpu.memory_space<vmem>> -> memref<4xi32, #tpu.memory_space<vmem>>
    %dma_start3A_13 = arith.constant 0 : i32
    %dma_start3A_14 = arith.constant 0 : i32
    %dma_start3A_15 = tpu.memref_slice %arg3[%dma_start3A_13, %dma_start3A_14] : memref<8192x8192xf32, #tpu.memory_space<hbm>> -> memref<8192x8192xf32, #tpu.memory_space<hbm>>
    tpu.enqueue_indirect_dma source(%dma_start3A_15 : memref<8192x8192xf32, #tpu.memory_space<hbm>>) target(%arg7 : memref<4x8192xf32, #tpu.memory_space<vmem>>) offsets(%dma_start3A_12 : memref<4xi32, #tpu.memory_space<vmem>>) semaphore(%arg10 : memref<!tpu.dma_semaphore, #tpu.memory_space<semaphore_mem>>)
    %scan3A = arith.constant 0 : i32
    %scan3A_16 = arith.constant 0 : i32
    %scan3A_17 = arith.constant 21 : i32
    %scan3A_18 = arith.addi %scan3A_16, %scan3A_17 : i32
    %scan3A_19 = arith.constant 1 : i32
    scf.for %scan3A_45 = %scan3A_16 to %scan3A_18 step %scan3A_19  : i32 {
      %mul3A_46 = arith.constant 3 : i32
      %mul3A_47 = arith.muli %mul3A_46, %scan3A_45 : i32
      %add3A_48 = arith.constant 0 : i32
      %add3A_49 = arith.addi %mul3A_47, %add3A_48 : i32
      %dma_wait3A_50 = arith.constant 0 : i32
      %dma_wait3A_51 = tpu.memref_slice %arg5[%add3A_49, %dma_wait3A_50] : memref<64x4xi32, #tpu.memory_space<vmem>> -> memref<1x4xi32, #tpu.memory_space<vmem>>
      %dma_wait3A_52 = tpu.memref_squeeze %dma_wait3A_51 : memref<1x4xi32, #tpu.memory_space<vmem>> -> memref<4xi32, #tpu.memory_space<vmem>>
      %dma_wait3A_53 = arith.constant 0 : i32
      %dma_wait3A_54 = arith.constant 0 : i32
      %dma_wait3A_55 = tpu.memref_slice %arg3[%dma_wait3A_53, %dma_wait3A_54] : memref<8192x8192xf32, #tpu.memory_space<hbm>> -> memref<8192x8192xf32, #tpu.memory_space<hbm>>
      tpu.wait_indirect_dma semaphore(%arg9 : memref<!tpu.dma_semaphore, #tpu.memory_space<semaphore_mem>>) src(%dma_wait3A_55 : memref<8192x8192xf32, #tpu.memory_space<hbm>>) dst(%arg6 : memref<4x8192xf32, #tpu.memory_space<vmem>>)
      %mul3A_56 = arith.constant 4 : i32
      %mul3A_57 = arith.muli %add3A_49, %mul3A_56 : i32
      %add3A_58 = arith.addi %mul3A_2, %mul3A_57 : i32
      %dma_start3A_59 = arith.constant 0 : i32
      %dma_start3A_60 = tpu.memref_slice %arg4[%add3A_58, %dma_start3A_59] : memref<8192x8192xf32, #tpu.memory_space<hbm>> -> memref<4x8192xf32, #tpu.memory_space<hbm>>
      %dma_start3A_61 = arith.constant 0 : i32
      %dma_start3A_62 = tpu.memref_slice %arg4[%add3A_58, %dma_start3A_61] : memref<8192x8192xf32, #tpu.memory_space<hbm>> -> memref<4x8192xf32, #tpu.memory_space<hbm>>
      tpu.enqueue_dma source(%arg6 : memref<4x8192xf32, #tpu.memory_space<vmem>>) target(%dma_start3A_62 : memref<4x8192xf32, #tpu.memory_space<hbm>>) target_semaphore(%arg12 : memref<!tpu.dma_semaphore, #tpu.memory_space<semaphore_mem>>)
      %add3A_63 = arith.constant 2 : i32
      %add3A_64 = arith.addi %add3A_49, %add3A_63 : i32
      %lt3A = arith.constant 64 : i32
      %lt3A_65 = arith.cmpi slt, %add3A_64, %lt3A : i32
      %convert_element_type3A = arith.extui %lt3A_65 : i1 to i32
      %cond3A = arith.constant 0 : i32
      %cond3A_66 = arith.cmpi ne, %convert_element_type3A, %cond3A : i32
      scf.if %cond3A_66 {
        %ge3A = arith.constant 1 : i32
        %ge3A_115 = arith.cmpi sge, %add3A_49, %ge3A : i32
        %convert_element_type3A_116 = arith.extui %ge3A_115 : i1 to i32
        %cond3A_117 = arith.constant 0 : i32
        %cond3A_118 = arith.cmpi ne, %convert_element_type3A_116, %cond3A_117 : i32
        scf.if %cond3A_118 {
          %dma_wait3A_127 = arith.constant 0 : i32
          %dma_wait3A_128 = tpu.memref_slice %arg4[%mul3A_2, %dma_wait3A_127] : memref<8192x8192xf32, #tpu.memory_space<hbm>> -> memref<4x8192xf32, #tpu.memory_space<hbm>>
          %dma_wait3A_129 = arith.constant 0 : i32
          %dma_wait3A_130 = tpu.memref_slice %arg4[%mul3A_2, %dma_wait3A_129] : memref<8192x8192xf32, #tpu.memory_space<hbm>> -> memref<4x8192xf32, #tpu.memory_space<hbm>>
          tpu.wait_dma2 semaphore(%arg14 : memref<!tpu.dma_semaphore, #tpu.memory_space<semaphore_mem>>) src(%arg8 : memref<4x8192xf32, #tpu.memory_space<vmem>>) dst(%dma_wait3A_130 : memref<4x8192xf32, #tpu.memory_space<hbm>>)
        } else {
        }
        %add3A_119 = arith.constant 2 : i32
        %add3A_120 = arith.addi %add3A_49, %add3A_119 : i32
        %dma_start3A_121 = arith.constant 0 : i32
        %dma_start3A_122 = tpu.memref_slice %arg5[%add3A_120, %dma_start3A_121] : memref<64x4xi32, #tpu.memory_space<vmem>> -> memref<1x4xi32, #tpu.memory_space<vmem>>
        %dma_start3A_123 = tpu.memref_squeeze %dma_start3A_122 : memref<1x4xi32, #tpu.memory_space<vmem>> -> memref<4xi32, #tpu.memory_space<vmem>>
        %dma_start3A_124 = arith.constant 0 : i32
        %dma_start3A_125 = arith.constant 0 : i32
        %dma_start3A_126 = tpu.memref_slice %arg3[%dma_start3A_124, %dma_start3A_125] : memref<8192x8192xf32, #tpu.memory_space<hbm>> -> memref<8192x8192xf32, #tpu.memory_space<hbm>>
        tpu.enqueue_indirect_dma source(%dma_start3A_126 : memref<8192x8192xf32, #tpu.memory_space<hbm>>) target(%arg8 : memref<4x8192xf32, #tpu.memory_space<vmem>>) offsets(%dma_start3A_123 : memref<4xi32, #tpu.memory_space<vmem>>) semaphore(%arg11 : memref<!tpu.dma_semaphore, #tpu.memory_space<semaphore_mem>>)
      } else {
      }
      %mul3A_67 = arith.constant 3 : i32
      %mul3A_68 = arith.muli %mul3A_67, %scan3A_45 : i32
      %add3A_69 = arith.constant 1 : i32
      %add3A_70 = arith.addi %mul3A_68, %add3A_69 : i32
      %dma_wait3A_71 = arith.constant 0 : i32
      %dma_wait3A_72 = tpu.memref_slice %arg5[%add3A_70, %dma_wait3A_71] : memref<64x4xi32, #tpu.memory_space<vmem>> -> memref<1x4xi32, #tpu.memory_space<vmem>>
      %dma_wait3A_73 = tpu.memref_squeeze %dma_wait3A_72 : memref<1x4xi32, #tpu.memory_space<vmem>> -> memref<4xi32, #tpu.memory_space<vmem>>
      %dma_wait3A_74 = arith.constant 0 : i32
      %dma_wait3A_75 = arith.constant 0 : i32
      %dma_wait3A_76 = tpu.memref_slice %arg3[%dma_wait3A_74, %dma_wait3A_75] : memref<8192x8192xf32, #tpu.memory_space<hbm>> -> memref<8192x8192xf32, #tpu.memory_space<hbm>>
      tpu.wait_indirect_dma semaphore(%arg10 : memref<!tpu.dma_semaphore, #tpu.memory_space<semaphore_mem>>) src(%dma_wait3A_76 : memref<8192x8192xf32, #tpu.memory_space<hbm>>) dst(%arg7 : memref<4x8192xf32, #tpu.memory_space<vmem>>)
      %mul3A_77 = arith.constant 4 : i32
      %mul3A_78 = arith.muli %add3A_70, %mul3A_77 : i32
      %add3A_79 = arith.addi %mul3A_2, %mul3A_78 : i32
      %dma_start3A_80 = arith.constant 0 : i32
      %dma_start3A_81 = tpu.memref_slice %arg4[%add3A_79, %dma_start3A_80] : memref<8192x8192xf32, #tpu.memory_space<hbm>> -> memref<4x8192xf32, #tpu.memory_space<hbm>>
      %dma_start3A_82 = arith.constant 0 : i32
      %dma_start3A_83 = tpu.memref_slice %arg4[%add3A_79, %dma_start3A_82] : memref<8192x8192xf32, #tpu.memory_space<hbm>> -> memref<4x8192xf32, #tpu.memory_space<hbm>>
      tpu.enqueue_dma source(%arg7 : memref<4x8192xf32, #tpu.memory_space<vmem>>) target(%dma_start3A_83 : memref<4x8192xf32, #tpu.memory_space<hbm>>) target_semaphore(%arg13 : memref<!tpu.dma_semaphore, #tpu.memory_space<semaphore_mem>>)
      %add3A_84 = arith.constant 2 : i32
      %add3A_85 = arith.addi %add3A_70, %add3A_84 : i32
      %lt3A_86 = arith.constant 64 : i32
      %lt3A_87 = arith.cmpi slt, %add3A_85, %lt3A_86 : i32
      %convert_element_type3A_88 = arith.extui %lt3A_87 : i1 to i32
      %cond3A_89 = arith.constant 0 : i32
      %cond3A_90 = arith.cmpi ne, %convert_element_type3A_88, %cond3A_89 : i32
      scf.if %cond3A_90 {
        %ge3A = arith.constant 1 : i32
        %ge3A_115 = arith.cmpi sge, %add3A_70, %ge3A : i32
        %convert_element_type3A_116 = arith.extui %ge3A_115 : i1 to i32
        %cond3A_117 = arith.constant 0 : i32
        %cond3A_118 = arith.cmpi ne, %convert_element_type3A_116, %cond3A_117 : i32
        scf.if %cond3A_118 {
          %dma_wait3A_127 = arith.constant 0 : i32
          %dma_wait3A_128 = tpu.memref_slice %arg4[%mul3A_2, %dma_wait3A_127] : memref<8192x8192xf32, #tpu.memory_space<hbm>> -> memref<4x8192xf32, #tpu.memory_space<hbm>>
          %dma_wait3A_129 = arith.constant 0 : i32
          %dma_wait3A_130 = tpu.memref_slice %arg4[%mul3A_2, %dma_wait3A_129] : memref<8192x8192xf32, #tpu.memory_space<hbm>> -> memref<4x8192xf32, #tpu.memory_space<hbm>>
          tpu.wait_dma2 semaphore(%arg12 : memref<!tpu.dma_semaphore, #tpu.memory_space<semaphore_mem>>) src(%arg6 : memref<4x8192xf32, #tpu.memory_space<vmem>>) dst(%dma_wait3A_130 : memref<4x8192xf32, #tpu.memory_space<hbm>>)
        } else {
        }
        %add3A_119 = arith.constant 2 : i32
        %add3A_120 = arith.addi %add3A_70, %add3A_119 : i32
        %dma_start3A_121 = arith.constant 0 : i32
        %dma_start3A_122 = tpu.memref_slice %arg5[%add3A_120, %dma_start3A_121] : memref<64x4xi32, #tpu.memory_space<vmem>> -> memref<1x4xi32, #tpu.memory_space<vmem>>
        %dma_start3A_123 = tpu.memref_squeeze %dma_start3A_122 : memref<1x4xi32, #tpu.memory_space<vmem>> -> memref<4xi32, #tpu.memory_space<vmem>>
        %dma_start3A_124 = arith.constant 0 : i32
        %dma_start3A_125 = arith.constant 0 : i32
        %dma_start3A_126 = tpu.memref_slice %arg3[%dma_start3A_124, %dma_start3A_125] : memref<8192x8192xf32, #tpu.memory_space<hbm>> -> memref<8192x8192xf32, #tpu.memory_space<hbm>>
        tpu.enqueue_indirect_dma source(%dma_start3A_126 : memref<8192x8192xf32, #tpu.memory_space<hbm>>) target(%arg6 : memref<4x8192xf32, #tpu.memory_space<vmem>>) offsets(%dma_start3A_123 : memref<4xi32, #tpu.memory_space<vmem>>) semaphore(%arg9 : memref<!tpu.dma_semaphore, #tpu.memory_space<semaphore_mem>>)
      } else {
      }
      %mul3A_91 = arith.constant 3 : i32
      %mul3A_92 = arith.muli %mul3A_91, %scan3A_45 : i32
      %add3A_93 = arith.constant 2 : i32
      %add3A_94 = arith.addi %mul3A_92, %add3A_93 : i32
      %dma_wait3A_95 = arith.constant 0 : i32
      %dma_wait3A_96 = tpu.memref_slice %arg5[%add3A_94, %dma_wait3A_95] : memref<64x4xi32, #tpu.memory_space<vmem>> -> memref<1x4xi32, #tpu.memory_space<vmem>>
      %dma_wait3A_97 = tpu.memref_squeeze %dma_wait3A_96 : memref<1x4xi32, #tpu.memory_space<vmem>> -> memref<4xi32, #tpu.memory_space<vmem>>
      %dma_wait3A_98 = arith.constant 0 : i32
      %dma_wait3A_99 = arith.constant 0 : i32
      %dma_wait3A_100 = tpu.memref_slice %arg3[%dma_wait3A_98, %dma_wait3A_99] : memref<8192x8192xf32, #tpu.memory_space<hbm>> -> memref<8192x8192xf32, #tpu.memory_space<hbm>>
      tpu.wait_indirect_dma semaphore(%arg11 : memref<!tpu.dma_semaphore, #tpu.memory_space<semaphore_mem>>) src(%dma_wait3A_100 : memref<8192x8192xf32, #tpu.memory_space<hbm>>) dst(%arg8 : memref<4x8192xf32, #tpu.memory_space<vmem>>)
      %mul3A_101 = arith.constant 4 : i32
      %mul3A_102 = arith.muli %add3A_94, %mul3A_101 : i32
      %add3A_103 = arith.addi %mul3A_2, %mul3A_102 : i32
      %dma_start3A_104 = arith.constant 0 : i32
      %dma_start3A_105 = tpu.memref_slice %arg4[%add3A_103, %dma_start3A_104] : memref<8192x8192xf32, #tpu.memory_space<hbm>> -> memref<4x8192xf32, #tpu.memory_space<hbm>>
      %dma_start3A_106 = arith.constant 0 : i32
      %dma_start3A_107 = tpu.memref_slice %arg4[%add3A_103, %dma_start3A_106] : memref<8192x8192xf32, #tpu.memory_space<hbm>> -> memref<4x8192xf32, #tpu.memory_space<hbm>>
      tpu.enqueue_dma source(%arg8 : memref<4x8192xf32, #tpu.memory_space<vmem>>) target(%dma_start3A_107 : memref<4x8192xf32, #tpu.memory_space<hbm>>) target_semaphore(%arg14 : memref<!tpu.dma_semaphore, #tpu.memory_space<semaphore_mem>>)
      %add3A_108 = arith.constant 2 : i32
      %add3A_109 = arith.addi %add3A_94, %add3A_108 : i32
      %lt3A_110 = arith.constant 64 : i32
      %lt3A_111 = arith.cmpi slt, %add3A_109, %lt3A_110 : i32
      %convert_element_type3A_112 = arith.extui %lt3A_111 : i1 to i32
      %cond3A_113 = arith.constant 0 : i32
      %cond3A_114 = arith.cmpi ne, %convert_element_type3A_112, %cond3A_113 : i32
      scf.if %cond3A_114 {
        %ge3A = arith.constant 1 : i32
        %ge3A_115 = arith.cmpi sge, %add3A_94, %ge3A : i32
        %convert_element_type3A_116 = arith.extui %ge3A_115 : i1 to i32
        %cond3A_117 = arith.constant 0 : i32
        %cond3A_118 = arith.cmpi ne, %convert_element_type3A_116, %cond3A_117 : i32
        scf.if %cond3A_118 {
          %dma_wait3A_127 = arith.constant 0 : i32
          %dma_wait3A_128 = tpu.memref_slice %arg4[%mul3A_2, %dma_wait3A_127] : memref<8192x8192xf32, #tpu.memory_space<hbm>> -> memref<4x8192xf32, #tpu.memory_space<hbm>>
          %dma_wait3A_129 = arith.constant 0 : i32
          %dma_wait3A_130 = tpu.memref_slice %arg4[%mul3A_2, %dma_wait3A_129] : memref<8192x8192xf32, #tpu.memory_space<hbm>> -> memref<4x8192xf32, #tpu.memory_space<hbm>>
          tpu.wait_dma2 semaphore(%arg13 : memref<!tpu.dma_semaphore, #tpu.memory_space<semaphore_mem>>) src(%arg7 : memref<4x8192xf32, #tpu.memory_space<vmem>>) dst(%dma_wait3A_130 : memref<4x8192xf32, #tpu.memory_space<hbm>>)
        } else {
        }
        %add3A_119 = arith.constant 2 : i32
        %add3A_120 = arith.addi %add3A_94, %add3A_119 : i32
        %dma_start3A_121 = arith.constant 0 : i32
        %dma_start3A_122 = tpu.memref_slice %arg5[%add3A_120, %dma_start3A_121] : memref<64x4xi32, #tpu.memory_space<vmem>> -> memref<1x4xi32, #tpu.memory_space<vmem>>
        %dma_start3A_123 = tpu.memref_squeeze %dma_start3A_122 : memref<1x4xi32, #tpu.memory_space<vmem>> -> memref<4xi32, #tpu.memory_space<vmem>>
        %dma_start3A_124 = arith.constant 0 : i32
        %dma_start3A_125 = arith.constant 0 : i32
        %dma_start3A_126 = tpu.memref_slice %arg3[%dma_start3A_124, %dma_start3A_125] : memref<8192x8192xf32, #tpu.memory_space<hbm>> -> memref<8192x8192xf32, #tpu.memory_space<hbm>>
        tpu.enqueue_indirect_dma source(%dma_start3A_126 : memref<8192x8192xf32, #tpu.memory_space<hbm>>) target(%arg7 : memref<4x8192xf32, #tpu.memory_space<vmem>>) offsets(%dma_start3A_123 : memref<4xi32, #tpu.memory_space<vmem>>) semaphore(%arg10 : memref<!tpu.dma_semaphore, #tpu.memory_space<semaphore_mem>>)
      } else {
      }
    }
    %scan3A_20 = arith.constant 21 : i32
    %dma_wait3A = arith.constant 63 : i32
    %dma_wait3A_21 = arith.constant 0 : i32
    %dma_wait3A_22 = tpu.memref_slice %arg5[%dma_wait3A, %dma_wait3A_21] : memref<64x4xi32, #tpu.memory_space<vmem>> -> memref<1x4xi32, #tpu.memory_space<vmem>>
    %dma_wait3A_23 = tpu.memref_squeeze %dma_wait3A_22 : memref<1x4xi32, #tpu.memory_space<vmem>> -> memref<4xi32, #tpu.memory_space<vmem>>
    %dma_wait3A_24 = arith.constant 0 : i32
    %dma_wait3A_25 = arith.constant 0 : i32
    %dma_wait3A_26 = tpu.memref_slice %arg3[%dma_wait3A_24, %dma_wait3A_25] : memref<8192x8192xf32, #tpu.memory_space<hbm>> -> memref<8192x8192xf32, #tpu.memory_space<hbm>>
    tpu.wait_indirect_dma semaphore(%arg9 : memref<!tpu.dma_semaphore, #tpu.memory_space<semaphore_mem>>) src(%dma_wait3A_26 : memref<8192x8192xf32, #tpu.memory_space<hbm>>) dst(%arg6 : memref<4x8192xf32, #tpu.memory_space<vmem>>)
    %add3A_27 = arith.constant 252 : i32
    %add3A_28 = arith.addi %mul3A_2, %add3A_27 : i32
    %dma_start3A_29 = arith.constant 0 : i32
    %dma_start3A_30 = tpu.memref_slice %arg4[%add3A_28, %dma_start3A_29] : memref<8192x8192xf32, #tpu.memory_space<hbm>> -> memref<4x8192xf32, #tpu.memory_space<hbm>>
    %dma_start3A_31 = arith.constant 0 : i32
    %dma_start3A_32 = tpu.memref_slice %arg4[%add3A_28, %dma_start3A_31] : memref<8192x8192xf32, #tpu.memory_space<hbm>> -> memref<4x8192xf32, #tpu.memory_space<hbm>>
    tpu.enqueue_dma source(%arg6 : memref<4x8192xf32, #tpu.memory_space<vmem>>) target(%dma_start3A_32 : memref<4x8192xf32, #tpu.memory_space<hbm>>) target_semaphore(%arg12 : memref<!tpu.dma_semaphore, #tpu.memory_space<semaphore_mem>>)
    %dma_wait3A_33 = arith.constant 0 : i32
    %dma_wait3A_34 = tpu.memref_slice %arg4[%mul3A_2, %dma_wait3A_33] : memref<8192x8192xf32, #tpu.memory_space<hbm>> -> memref<4x8192xf32, #tpu.memory_space<hbm>>
    %dma_wait3A_35 = arith.constant 0 : i32
    %dma_wait3A_36 = tpu.memref_slice %arg4[%mul3A_2, %dma_wait3A_35] : memref<8192x8192xf32, #tpu.memory_space<hbm>> -> memref<4x8192xf32, #tpu.memory_space<hbm>>
    tpu.wait_dma2 semaphore(%arg12 : memref<!tpu.dma_semaphore, #tpu.memory_space<semaphore_mem>>) src(%arg6 : memref<4x8192xf32, #tpu.memory_space<vmem>>) dst(%dma_wait3A_36 : memref<4x8192xf32, #tpu.memory_space<hbm>>)
    %dma_wait3A_37 = arith.constant 0 : i32
    %dma_wait3A_38 = tpu.memref_slice %arg4[%mul3A_2, %dma_wait3A_37] : memref<8192x8192xf32, #tpu.memory_space<hbm>> -> memref<4x8192xf32, #tpu.memory_space<hbm>>
    %dma_wait3A_39 = arith.constant 0 : i32
    %dma_wait3A_40 = tpu.memref_slice %arg4[%mul3A_2, %dma_wait3A_39] : memref<8192x8192xf32, #tpu.memory_space<hbm>> -> memref<4x8192xf32, #tpu.memory_space<hbm>>
    tpu.wait_dma2 semaphore(%arg13 : memref<!tpu.dma_semaphore, #tpu.memory_space<semaphore_mem>>) src(%arg7 : memref<4x8192xf32, #tpu.memory_space<vmem>>) dst(%dma_wait3A_40 : memref<4x8192xf32, #tpu.memory_space<hbm>>)
    %dma_wait3A_41 = arith.constant 0 : i32
    %dma_wait3A_42 = tpu.memref_slice %arg4[%mul3A_2, %dma_wait3A_41] : memref<8192x8192xf32, #tpu.memory_space<hbm>> -> memref<4x8192xf32, #tpu.memory_space<hbm>>
    %dma_wait3A_43 = arith.constant 0 : i32
    %dma_wait3A_44 = tpu.memref_slice %arg4[%mul3A_2, %dma_wait3A_43] : memref<8192x8192xf32, #tpu.memory_space<hbm>> -> memref<4x8192xf32, #tpu.memory_space<hbm>>
    tpu.wait_dma2 semaphore(%arg14 : memref<!tpu.dma_semaphore, #tpu.memory_space<semaphore_mem>>) src(%arg8 : memref<4x8192xf32, #tpu.memory_space<vmem>>) dst(%dma_wait3A_44 : memref<4x8192xf32, #tpu.memory_space<hbm>>)
    return
  }
}

</mosaic_0001>

<sc_bundles>
// kernel: kernel.3.cloned.1.call-start
scs
__scs_entry_jumppad:
0x0: {  	(pc) =	sbr.rel $0x88, $3  }
0x1: {  	(tag) =	ssettag $0x0;
	lr =	simm.s32 $0x1  }
0x2: {  	[smem:$0x3F9F] =	sst lr;
	_ =	strace $0xD0000000  }
0x3: {  	_ = 	snop  }
0x4: {  	_ = 	snop  }
0x5: {  	_ = 	snop  }
0x6: {  	_ = 	snop  }
0x7: {  	_ = 	snop  }
__scs_overlays_trampoline_lowered:
0x8: {  	[smem:$0x3FAE] =	sst s0  }
0x9: {  	[smem:$0x3FAF] =	sst s1  }
0xa: {  	[smem:$0x3FB0] =	sst s2  }
0xb: {  	[smem:$0x3FB1] =	sst s3  }
0xc: {  	[smem:$0x3FB2] =	sst s4  }
0xd: {  	[smem:$0x3FB3] =	sst s5  }
0xe: {  	[smem:$0x3FB4] =	sst s6  }
0xf: {  	[smem:$0x3FB5] =	sst s7  }
0x10: {  	[smem:$0x3FB6] =	sst s8  }
0x11: {  	[smem:$0x3FB7] =	sst s9;
	s0 =	simm.s32 @!p0 $0x0  }
0x12: {  	s1 =	sld [smem:$0x3F9D];
	s0 =	simm.s32 @p0 $0x1  }
0x13: {  	[smem:$0x3FB8] =	sst s0;
	s0 =	simm.s32 @!p1 $0x0  }
0x14: {  	s2 =	sld [smem:$0x3F9C];
	s0 =	simm.s32 @p1 $0x1  }
0x15: {  	[smem:$0x3FB9] =	sst s0;
	s0 =	simm.s32 @!p2 $0x0  }
0x16: {  	s3 =	sld [smem:$0x3FDB];
	s0 =	simm.s32 @p2 $0x1  }
0x17: {  	s4 =	simm.s32 $0x1BF5;
	[smem:$0x3FBB] =	sst s0  }
0x18: {  	s0 =	sld [smem:$0x3F9E];
	_ =	swait.ge [sflag:s4], $0x0  }
0x19: {  	s7 =	sld [smem:$0x3F9F]  }
0x1a: {  	s8 =	sadd.s32 $0xFFFFE003, lr  }
0x1b: {  	s9 =	sadd.s32 $0xFFFFFEF7, lr;
	s5 =	simm.s32 $0xFFFFFFFF;
	p2 =	slt.u32 s8, $0xFFFFF086  }
0x1c: {  	p1 =	slt.u32 s9, $0xF7A;
	s5 =	simm.s32 @!p2 $0x0  }
0x1d: {  	s5 =	simm.s32 @p1 $0x1;
	p0 =	seq.s32 s7, s2  }
0x1e: {  	s7 =	smul.u32 @!p0 $0xF7A, s2;
	p2 =	seq.s32 @!p0 s5, $0x0  }
0x1f: {  	s9 =	smul.u32 $0xF7A, s1;
	s8 =	simm.s32 @!p0 $0x1BF5;
	p2 =	por !p2, p0  }
0x20: {  	[sflag:s8] =	ssyncset.s32 @!p0 $0xFFFFF086;
	s6 =	sadd.s32 @!p0 s3, s7;
	s7 =	simm.s32 @!p0 $0x108  }
0x21: {  	s3 =	sadd.s32 s3, s9;
	s6 =	sadd.s32 @!p0 $0x88, s6;
	s7 =	simm.s32 @p2 $0x1082  }
0x22: {  	[simem:s7], [sflag:s8] =	dma.local @!p0 [hbm:s6], $0xF7A  }
0x23: {  	s9 =	sor.u32 $0xD0000000, s2;
	s6 =	simm.s32 $0x108;
	_ =	swait.ge @!p0 [sflag:s8], $0x0  }
0x24: {  	s3 =	sadd.s32 $0x88, s3;
	s6 =	simm.s32 @!p1 $0x1082;
	[sflag:s4] =	ssyncset.s32 $0xFFFFF086  }
0x25: {  	[simem:s6], [sflag:s4] =	dma.local [hbm:s3], $0xF7A  }
0x26: {  	[smem:$0x3F9F] =	sst s1;
	(tag) =	ssettag s2;
	_ =	strace s9  }
0x27: {  	s1 =	sld [smem:$0x3FAF]  }
0x28: {  	s2 =	sld [smem:$0x3FB0]  }
0x29: {  	s4 =	sld [smem:$0x3FB2]  }
0x2a: {  	p0 =	seq.s32 s5, $0x0;
	s5 =	sld [smem:$0x3FB3]  }
0x2b: {  	s6 =	sld [smem:$0x3FB4]  }
0x2c: {  	s7 =	sld [smem:$0x3FB5]  }
0x2d: {  	s3 =	simm.s32 $0x108;
	s8 =	sld [smem:$0x3FB6]  }
0x2e: {  	s3 =	simm.s32 @!p0 $0x1082;
	s9 =	sld [smem:$0x3FB7]  }
0x2f: {  	lr =	sadd.s32 s0, s3;
	s0 =	sld [smem:$0x3FAE]  }
0x30: {  	s3 =	sld [smem:$0x3FB1]  }
0x31: {  	[smem:$0x3FBA] =	sst s10  }
0x32: {  	s10 =	sld [smem:$0x3FB8];
	_ =	sdelay $0x3  }
0x33: {  	p0 =	seq.s32 s10, $0x1;
	s10 =	sld [smem:$0x3FBA];
	_ =	sdelay $0x3  }
0x34: {  	[smem:$0x3FBA] =	sst s10  }
0x35: {  	s10 =	sld [smem:$0x3FB9];
	_ =	sdelay $0x3  }
0x36: {  	p1 =	seq.s32 s10, $0x1;
	s10 =	sld [smem:$0x3FBA];
	_ =	sdelay $0x3  }
0x37: {  	[smem:$0x3FBA] =	sst s10  }
0x38: {  	s10 =	sld [smem:$0x3FBB]  }
0x39: {  	_ = 	snop;
	(pc) =	sbr.ind lr, $3  }
0x3a: {  	_ = 	snop  }
0x3b: {  	_ = 	snop  }
0x3c: {  	p2 =	seq.s32 s10, $0x1;
	s10 =	sld [smem:$0x3FBA]  }
0x3d: {  	_ =	shalt  }
0x3e: {  	_ =	shalt  }
0x3f: {  	_ =	shalt  }
0x40: {  	_ =	shalt  }
0x41: {  	_ =	shalt  }
0x42: {  	_ =	shalt  }
0x43: {  	_ =	shalt  }
0x44: {  	_ =	shalt  }
0x45: {  	_ =	shalt  }
0x46: {  	_ =	shalt  }
0x47: {  	_ =	shalt  }
0x48: {  	_ =	shalt  }
0x49: {  	_ =	shalt  }
0x4a: {  	_ =	shalt  }
0x4b: {  	_ =	shalt  }
0x4c: {  	_ =	shalt  }
0x4d: {  	_ =	shalt  }
0x4e: {  	_ =	shalt  }
0x4f: {  	_ =	shalt  }
0x50: {  	_ =	shalt  }
0x51: {  	_ =	shalt  }
0x52: {  	_ =	shalt  }
0x53: {  	_ =	shalt  }
0x54: {  	_ =	shalt  }
0x55: {  	_ =	shalt  }
0x56: {  	_ =	shalt  }
0x57: {  	_ =	shalt  }
0x58: {  	_ =	shalt  }
0x59: {  	_ =	shalt  }
0x5a: {  	_ =	shalt  }
0x5b: {  	_ =	shalt  }
0x5c: {  	_ =	shalt  }
0x5d: {  	_ =	shalt  }
0x5e: {  	_ =	shalt  }
0x5f: {  	_ =	shalt  }
0x60: {  	_ =	shalt  }
0x61: {  	_ =	shalt  }
0x62: {  	_ =	shalt  }
0x63: {  	_ =	shalt  }
0x64: {  	_ =	shalt  }
0x65: {  	_ =	shalt  }
0x66: {  	_ =	shalt  }
0x67: {  	_ =	shalt  }
0x68: {  	_ =	shalt  }
0x69: {  	_ =	shalt  }
0x6a: {  	_ =	shalt  }
0x6b: {  	_ =	shalt  }
0x6c: {  	_ =	shalt  }
0x6d: {  	_ =	shalt  }
0x6e: {  	_ =	shalt  }
0x6f: {  	_ =	shalt  }
0x70: {  	_ =	shalt  }
0x71: {  	_ =	shalt  }
0x72: {  	_ =	shalt  }
0x73: {  	_ =	shalt  }
0x74: {  	_ =	shalt  }
0x75: {  	_ =	shalt  }
0x76: {  	_ =	shalt  }
0x77: {  	_ =	shalt  }
0x78: {  	_ =	shalt  }
0x79: {  	_ =	shalt  }
0x7a: {  	_ =	shalt  }
0x7b: {  	_ =	shalt  }
0x7c: {  	_ =	shalt  }
0x7d: {  	_ =	shalt  }
0x7e: {  	_ =	shalt  }
0x7f: {  	_ =	shalt  }
0x80: {  	_ =	shalt  }
0x81: {  	_ =	shalt  }
0x82: {  	_ =	shalt  }
0x83: {  	_ =	shalt  }
0x84: {  	_ =	shalt  }
0x85: {  	_ =	shalt  }
0x86: {  	_ =	shalt  }
0x87: {  	_ =	shalt  }
.Lfunc_end0:
.L_simem_size_0:
called_computation_lowered:
.L_overlay_start_0:
0x88: {  	s2 =	sld [smem:$0x3FD9]  }
0x89: {  	s3 =	sld [smem:$0x3FFE];
	_ =	sdelay $0x1  }
0x8a: {  	s1 =	srdreg.scid  }
0x8b: {  	s0 =	sand.u32 $0x1, s1  }
0x8c: {  	s17 =	sshll.u32 s0, $0xA;
	s2 =	sadd.s32 s3, s2  }
0x8d: {  	s2 =	sadd.s32 s2, s17  }
0x8e: {  	[smem:$0x3FC6] =	sst s2  }
0x8f: {  	_ = 	snop  }
0x90: {  	s2 =	sld [smem:$0x3FC8]  }
0x91: {  	s18 =	sld [smem:$0x3FD0];
	(tm) =	ssettm $0x1  }
0x92: {  	s4 =	sld [smem:$0x3FFB];
	_ =	sdelay $0x3  }
0x93: {  	_ =	strace s4  }
0x94: {  	s4 =	sld [smem:$0x3FFC];
	_ =	sdelay $0x3  }
0x95: {  	_ =	strace s4  }
0x96: {  	s4 =	sld [smem:$0x3FFD];
	_ =	sdelay $0x3  }
0x97: {  	_ =	strace s4  }
0x98: {  	_ =	strace $0x8FFFFFFF  }
0x99: {  	s19 =	sld [smem:$0x3FDB];
	_ =	sdelay $0x1  }
0x9a: {  	s5 =	simm.s32 $_scs_section_size  }
0x9b: {  	s6 =	simm.s32 $_size__tile_overlayer_lowered;
	s7 =	simm.s32 $_tile_overlayer_lowered  }
0x9c: {  	s22 =	simm.s32 $0x1BFF;
	s21 =	sshll.u32 s7, $0x1;
	s4 =	sadd.s32 s5, s19  }
0x9d: {  	s8 =	simm.s32 $0x0;
	s20 =	sshll.u32 s6, $0x1;
	s6 =	sadd.s32 s21, s4  }
0x9e: {  	[timem:s8], [sflag:s22] =	dma.local [hbm:s6], s20  }
0x9f: {  	_ =	swait.ge [sflag:s22], s20  }
0xa0: {  	s5 =	ssub.s32 $0x0, s20;
	[sflag:s22] =	ssyncset.done $0x0  }
0xa1: {  	[sflag:s22] =	ssyncadd.s32 s5;
	_ =	sdelay $0x1  }
0xa2: {  	s23 =	simm.s32 $0x1B8B  }
0xa3: {  	_ =	swait.ge [sflag:s23], $0x1  }
0xa4: {  	[sflag:s23] =	ssyncset.done $0x0  }
0xa5: {  	s25 =	simm.s32 $0x1B8E;
	s24 =	sld [smem:$0x3FFE];
	[sflag:s23] =	ssyncadd.s32 $0xFFFFFFFF  }
0xa6: {  	s26 =	simm.s32 $execute0_lowered;
	[smem:$0x3FD2] =	sst s25  }
0xa7: {  	s6 =	sshll.u32 s26, $0x1;
	_ =	strace $0x80000046;
	[dreg:$0x1] =	wrdreg $0xFFFFFFFF  }
0xa8: {  	s28 =	simm.s32 $_size_execute0_lowered;
	s4 =	sadd.s32 s4, s6;
	[dreg:$0x0] =	wrdreg $0x0  }
0xa9: {  	s6 =	sshll.u32 s28, $0x1;
	[dreg:$0x2] =	wrdreg s4  }
0xaa: {  	[dreg:$0x3] =	wrdreg s6  }
0xab: {  	[dreg:$0x4] =	wrdreg $0xC0  }
0xac: {  	_ =	task [dreg:s8], $0x5FFFF  }
0xad: {  	[dreg:$0x1] =	wrdreg $0xFFFFFFFF  }
0xae: {  	[dreg:$0x0] =	wrdreg $0x60  }
0xaf: {  	[dreg:$0x2] =	wrdreg s24  }
0xb0: {  	[dreg:$0x3] =	wrdreg s2  }
0xb1: {  	[dreg:$0x4] =	wrdreg s18  }
0xb2: {  	[dreg:$0x5] =	wrdreg $0x9  }
0xb3: {  	_ =	task.clear_ibuf [dreg:s8], $0x6FFFF;
	_ =	strace $0x90000046  }
0xb4: {  	s29 =	simm.s32 $0x9;
	_ =	strace $0x80000048  }
0xb5: {  	_ =	swait.ge [sflag:s29], $0x1  }
0xb6: {  	[sflag:s29] =	ssyncadd.s32 $0xFFFFFFFF  }
0xb7: {  	_ =	strace $0x90000048  }
0xb8: {  	_ =	sfence  }
0xb9: {  	s30 =	sld [smem:$0x0];
	_ =	sdelay $0x2  }
0xba: {  	s31 =	sshll.u32 s1, $0xD;
	s1 =	sshrl.u32 s1, $0x2  }
0xbb: {  	s3 =	sand.u32 $0x4000, s31;
	s1 =	sadd.s32 s1, s30  }
0xbc: {  	s0 =	sor.u32 s3, s0;
	s1 =	sshll.u32 s1, $0x11  }
0xbd: {  	s0 =	sor.u32 s1, s0  }
0xbe: {  	s0 =	sadd.s32 $0x8F2B, s0  }
0xbf: {  	[sflag:s0] =	ssyncadd.remote.s32 $0x1  }
0xc0: {  	_ =	sfence.sel $0xFFFF  }
0xc1: {  	[dreg:$0x0] =	wrdreg $0xFFFFFFFF;
	(pc) =	sbr.abs _section_cstart, $3  }
0xc2: {  	[dreg:$0x1] =	wrdreg $0xFFFFFFFF  }
0xc3: {  	_ =	task.clear_ibuf [dreg:s8], $0x2FFFF;
	_ =	strace $0x9FFFFFFF  }
0xc4: {  	(tm) =	ssettm $0x7FFFFFFF  }
0xc5: {  	_ =	shalt  }
tec
execute0_lowered:
.L_overlay_start_1:
0x0: {  	(tag) =	ssettag $0x1  }
0x1: {  	s0 =	rddreg [dreg:$0x0]  }
0x2: {  	s21 =	rddreg [dreg:$0x1]  }
0x3: {  	s22 =	rddreg [dreg:$0x2];
	s1 =	srdreg.scid  }
0x4: {  	s2 =	stileid.u32;
	s4 =	simm.s32 $0x0;
	s26 =	simm.s32 $0x400  }
0x5: {  	s1 =	sand.u32 $0x1, s1;
	s3 =	sshll.u32 s2, $0x1;
	[smem:$0x7FF] =	sst s4  }
0x6: {  	s8 =	sadd.s32 $0x600, s21;
	s9 =	sadd.s32 $0x800, s21;
	s10 =	sadd.s32 $0xA00, s21  }
0x7: {  	s11 =	sadd.s32 $0xC00, s21;
	s12 =	sadd.s32 $0xE00, s21;
	s13 =	sadd.s32 $0x1000, s21  }
0x8: {  	s14 =	sadd.s32 $0x1200, s21;
	s15 =	sadd.s32 $0x1400, s21;
	s16 =	sadd.s32 $0x1600, s21  }
0x9: {  	s17 =	sadd.s32 $0x1800, s21;
	s18 =	sadd.s32 $0x1A00, s21;
	s19 =	sadd.s32 $0x1C00, s21  }
0xa: {  	s20 =	sadd.s32 $0x1E00, s21;
	s30 =	sshll.u32 s2, $0x13;
	s2 =	smov.u32 s21  }
0xb: {  	s3 =	sor.u32 s1, s3;
	s5 =	ssub.s32 $0x2, s1;
	_ =	strace $0x80000047  }
0xc: {  	s1 =	sshll.u32 s1, $0x12;
	s6 =	sshll.u32 s3, $0xA;
	s7 =	sshrl.u32 s5, $0x1  }
0xd: {  	s29 =	sshll.u32 s3, $0x12;
	s3 =	simm.s32 $0x2000;
	s0 =	sadd.s32 s6, s0  }
.Ltmp0:
0xe: {  	s5 =	ssub.s32 s5, s7;
	s0 =	sadd.s32 $0x400, s0;
	(pc) =	sbr.rel .LBB2_1-.Ltmp0, $4  }
0xf: {  	s31 =	smax.u32 s5, $0x1;
	[dreg:$0x4] =	wrdreg s0;
	s0 =	sadd.s32 s29, s22  }
0x10: {  	v0 =	vlaneseq.u32;
	s6 =	sadd.s32 $0x200, s21;
	[dreg:$0x6] =	wrdreg s31;
	s0 =	sadd.s32 $0x3E040, s0  }
0x11: {  	v1 =	vshrl.u32 v0, $0x2;
	s7 =	sadd.s32 $0x400, s21;
	[dreg:$0x5] =	wrdreg s0;
	s0 =	sor.u32 s1, s30  }
0x12: {  	vm0 =	vmmov $0xffff;
	v0 =	vand.u32 $0x3, v0;
	v1 =	vmul.u32 $0x8, v1;
	s21 =	simm.s32 $0x0;
	s5 =	simm.s32 $0xA000;
	[dreg:$0x7] =	wrdreg s0  }
.LBB2_4:
0x13: {  	s0 =	simm.s32 $0x1  }
0x14: {  	_ =	swait.ge [sflag:s0], $0x8000  }
0x15: {  	s3 =	simm.s32 $0x2000;
	[sflag:s0] =	ssyncset.done $0x0  }
0x16: {  	s28 =	simm.s32 $0x4;
	s25 =	rddreg [dreg:$0x5];
	[sflag:s0] =	ssyncadd.s32 $0xFFFF8000  }
0x17: {  	[hbm4b:s25+s21] =	stream.strided.scatter [tilespmem:s3], [sflag:$0x4], $0x8000, s24, s21, $0x38;
	[tilespmem:$0x1A000] =	vst v63  }
0x18: {  	_ =	swait.ge [sflag:s28], $0x8000  }
0x19: {  	[sflag:s28] =	ssyncset.done $0x0  }
0x1a: {  	s29 =	simm.s32 $0x5;
	[sflag:s28] =	ssyncadd.s32 $0xFFFF8000  }
0x1b: {  	_ =	swait.ge [sflag:s29], $0x8000  }
0x1c: {  	[sflag:s29] =	ssyncset.done $0x0  }
0x1d: {  	s1 =	simm.s32 $0x6;
	[sflag:s29] =	ssyncadd.s32 $0xFFFF8000  }
0x1e: {  	_ =	swait.ge [sflag:s1], $0x8000  }
0x1f: {  	s30 =	rddreg [dreg:$0x8]  }
0x20: {  	s31 =	rddreg [dreg:$0x6];
	s21 =	sadd.s32 $0x1, s30  }
0x21: {  	p0 =	sne.s32 s21, s31  }
.Ltmp1:
0x22: {  	_ = 	snop;
	(pc) =	sbr.rel @!p0 .LBB2_5-.Ltmp1, $3  }
0x23: {  	_ =	sdelay $0x1  }
0x24: {  	[sflag:s1] =	ssyncset.done $0x0  }
0x25: {  	s2 =	smov.u32 s22;
	[sflag:s1] =	ssyncadd.s32 $0xFFFF8000  }
.LBB2_1:
0x26: {  	[dreg:$0x8] =	wrdreg s21  }
0x27: {  	s0 =	rddreg [dreg:$0x4];
	s25 =	simm.s32 $0x7  }
0x28: {  	[tilespmem:s4], [sflag:$0x7] =	stream.linear.gather [hbm4b:s0+s4], $0x2000, $0x38;
	[tilespmem:$0x1A000] =	vst v63  }
0x29: {  	_ =	swait.ge [sflag:s25], $0x2000  }
0x2a: {  	[sflag:s25] =	ssyncset.done $0x0  }
0x2b: {  	[sflag:s25] =	ssyncadd.s32 $0xFFFFE000  }
0x2c: {  	v2 =	vld.msk [tilespmem:$0x0], $0xf;
	_ =	sdelay $0x4  }
0x2d: {  	v3 =	vshll.u32 v2, $0x6  }
0x2e: {  	v2 =	vand.u32 $0x7, v2;
	v3 =	vand.u32 $0xFFFFFE00, v3  }
0x2f: {  	v2 =	vor.u32 v2, v3  }
0x30: {  	v2 =	vperm.xlane v2, v0;
	_ =	sdelay $0x1  }
0x31: {  	v2 =	vadd.s32 v1, v2;
	_ =	sdelay $0x4  }
0x32: {  	[tilespmem:s3], [sflag:$0x1] =	stream.indirect_vreg.gather [hbm4b:s2+s4], $0x80, v2, vm0, $0xb8;
	[tilespmem:$0x1A000] =	vst v63  }
0x33: {  	s30 =	simm.s32 $0x2800  }
0x34: {  	[tilespmem:s30], [sflag:$0x1] =	stream.indirect_vreg.gather [hbm4b:s6+s4], $0x80, v2, vm0, $0xb8;
	[tilespmem:$0x1A000] =	vst v63  }
0x35: {  	s31 =	simm.s32 $0x3000  }
0x36: {  	[tilespmem:s31], [sflag:$0x1] =	stream.indirect_vreg.gather [hbm4b:s7+s4], $0x80, v2, vm0, $0xb8;
	[tilespmem:$0x1A000] =	vst v63  }
0x37: {  	s1 =	simm.s32 $0x3800  }
0x38: {  	[tilespmem:s1], [sflag:$0x1] =	stream.indirect_vreg.gather [hbm4b:s8+s4], $0x80, v2, vm0, $0xb8;
	[tilespmem:$0x1A000] =	vst v63  }
0x39: {  	s3 =	simm.s32 $0x4000  }
0x3a: {  	[tilespmem:s3], [sflag:$0x1] =	stream.indirect_vreg.gather [hbm4b:s9+s4], $0x80, v2, vm0, $0xb8;
	[tilespmem:$0x1A000] =	vst v63  }
0x3b: {  	s21 =	simm.s32 $0x4800  }
0x3c: {  	[tilespmem:s21], [sflag:$0x1] =	stream.indirect_vreg.gather [hbm4b:s10+s4], $0x80, v2, vm0, $0xb8;
	[tilespmem:$0x1A000] =	vst v63  }
0x3d: {  	s22 =	simm.s32 $0x5000  }
0x3e: {  	[tilespmem:s22], [sflag:$0x1] =	stream.indirect_vreg.gather [hbm4b:s11+s4], $0x80, v2, vm0, $0xb8;
	[tilespmem:$0x1A000] =	vst v63  }
0x3f: {  	s23 =	simm.s32 $0x5800  }
0x40: {  	[tilespmem:s23], [sflag:$0x1] =	stream.indirect_vreg.gather [hbm4b:s12+s4], $0x80, v2, vm0, $0xb8;
	[tilespmem:$0x1A000] =	vst v63  }
0x41: {  	s24 =	simm.s32 $0x6000  }
0x42: {  	[tilespmem:s24], [sflag:$0x1] =	stream.indirect_vreg.gather [hbm4b:s13+s4], $0x80, v2, vm0, $0xb8;
	[tilespmem:$0x1A000] =	vst v63  }
0x43: {  	s25 =	simm.s32 $0x6800  }
0x44: {  	[tilespmem:s25], [sflag:$0x1] =	stream.indirect_vreg.gather [hbm4b:s14+s4], $0x80, v2, vm0, $0xb8;
	[tilespmem:$0x1A000] =	vst v63  }
0x45: {  	s30 =	simm.s32 $0x7000  }
0x46: {  	[tilespmem:s30], [sflag:$0x1] =	stream.indirect_vreg.gather [hbm4b:s15+s4], $0x80, v2, vm0, $0xb8;
	[tilespmem:$0x1A000] =	vst v63  }
0x47: {  	s31 =	simm.s32 $0x7800  }
0x48: {  	[tilespmem:s31], [sflag:$0x1] =	stream.indirect_vreg.gather [hbm4b:s16+s4], $0x80, v2, vm0, $0xb8;
	[tilespmem:$0x1A000] =	vst v63  }
0x49: {  	s1 =	simm.s32 $0x8000  }
0x4a: {  	[tilespmem:s1], [sflag:$0x1] =	stream.indirect_vreg.gather [hbm4b:s17+s4], $0x80, v2, vm0, $0xb8;
	[tilespmem:$0x1A000] =	vst v63  }
0x4b: {  	s3 =	simm.s32 $0x8800  }
0x4c: {  	[tilespmem:s3], [sflag:$0x1] =	stream.indirect_vreg.gather [hbm4b:s18+s4], $0x80, v2, vm0, $0xb8;
	[tilespmem:$0x1A000] =	vst v63  }
0x4d: {  	s21 =	simm.s32 $0x9000  }
0x4e: {  	[tilespmem:s21], [sflag:$0x1] =	stream.indirect_vreg.gather [hbm4b:s19+s4], $0x80, v2, vm0, $0xb8;
	[tilespmem:$0x1A000] =	vst v63  }
0x4f: {  	s22 =	simm.s32 $0x9800  }
0x50: {  	[tilespmem:s22], [sflag:$0x1] =	stream.indirect_vreg.gather [hbm4b:s20+s4], $0x80, v2, vm0, $0xb8;
	[tilespmem:$0x1A000] =	vst v63  }
0x51: {  	v2 =	vld.msk [tilespmem:$0x80], $0xf;
	_ =	sdelay $0x4  }
0x52: {  	v3 =	vshll.u32 v2, $0x6  }
0x53: {  	v2 =	vand.u32 $0x7, v2;
	v3 =	vand.u32 $0xFFFFFE00, v3  }
0x54: {  	v2 =	vor.u32 v2, v3  }
0x55: {  	v2 =	vperm.xlane v2, v0;
	_ =	sdelay $0x1  }
0x56: {  	v2 =	vadd.s32 v1, v2;
	_ =	sdelay $0x4  }
0x57: {  	[tilespmem:s5], [sflag:$0x2] =	stream.indirect_vreg.gather [hbm4b:s2+s4], $0x80, v2, vm0, $0xb8;
	[tilespmem:$0x1A000] =	vst v63  }
0x58: {  	s23 =	simm.s32 $0xA800  }
0x59: {  	[tilespmem:s23], [sflag:$0x2] =	stream.indirect_vreg.gather [hbm4b:s6+s4], $0x80, v2, vm0, $0xb8;
	[tilespmem:$0x1A000] =	vst v63  }
0x5a: {  	s24 =	simm.s32 $0xB000  }
0x5b: {  	[tilespmem:s24], [sflag:$0x2] =	stream.indirect_vreg.gather [hbm4b:s7+s4], $0x80, v2, vm0, $0xb8;
	[tilespmem:$0x1A000] =	vst v63  }
0x5c: {  	s25 =	simm.s32 $0xB800  }
0x5d: {  	[tilespmem:s25], [sflag:$0x2] =	stream.indirect_vreg.gather [hbm4b:s8+s4], $0x80, v2, vm0, $0xb8;
	[tilespmem:$0x1A000] =	vst v63  }
0x5e: {  	s30 =	simm.s32 $0xC000  }
0x5f: {  	[tilespmem:s30], [sflag:$0x2] =	stream.indirect_vreg.gather [hbm4b:s9+s4], $0x80, v2, vm0, $0xb8;
	[tilespmem:$0x1A000] =	vst v63  }
0x60: {  	s31 =	simm.s32 $0xC800  }
0x61: {  	[tilespmem:s31], [sflag:$0x2] =	stream.indirect_vreg.gather [hbm4b:s10+s4], $0x80, v2, vm0, $0xb8;
	[tilespmem:$0x1A000] =	vst v63  }
0x62: {  	s1 =	simm.s32 $0xD000  }
0x63: {  	[tilespmem:s1], [sflag:$0x2] =	stream.indirect_vreg.gather [hbm4b:s11+s4], $0x80, v2, vm0, $0xb8;
	[tilespmem:$0x1A000] =	vst v63  }
0x64: {  	s3 =	simm.s32 $0xD800  }
0x65: {  	[tilespmem:s3], [sflag:$0x2] =	stream.indirect_vreg.gather [hbm4b:s12+s4], $0x80, v2, vm0, $0xb8;
	[tilespmem:$0x1A000] =	vst v63  }
0x66: {  	s5 =	simm.s32 $0xE000  }
0x67: {  	[tilespmem:s5], [sflag:$0x2] =	stream.indirect_vreg.gather [hbm4b:s13+s4], $0x80, v2, vm0, $0xb8;
	[tilespmem:$0x1A000] =	vst v63  }
0x68: {  	s21 =	simm.s32 $0xE800  }
0x69: {  	[tilespmem:s21], [sflag:$0x2] =	stream.indirect_vreg.gather [hbm4b:s14+s4], $0x80, v2, vm0, $0xb8;
	[tilespmem:$0x1A000] =	vst v63  }
0x6a: {  	s22 =	simm.s32 $0xF000  }
0x6b: {  	[tilespmem:s22], [sflag:$0x2] =	stream.indirect_vreg.gather [hbm4b:s15+s4], $0x80, v2, vm0, $0xb8;
	[tilespmem:$0x1A000] =	vst v63  }
0x6c: {  	s23 =	simm.s32 $0xF800  }
0x6d: {  	[tilespmem:s23], [sflag:$0x2] =	stream.indirect_vreg.gather [hbm4b:s16+s4], $0x80, v2, vm0, $0xb8;
	[tilespmem:$0x1A000] =	vst v63  }
0x6e: {  	s24 =	simm.s32 $0x10000  }
0x6f: {  	[tilespmem:s24], [sflag:$0x2] =	stream.indirect_vreg.gather [hbm4b:s17+s4], $0x80, v2, vm0, $0xb8;
	[tilespmem:$0x1A000] =	vst v63  }
0x70: {  	s29 =	simm.s32 $0x40;
	s25 =	simm.s32 $0x10800  }
0x71: {  	[tilespmem:s25], [sflag:$0x2] =	stream.indirect_vreg.gather [hbm4b:s18+s4], $0x80, v2, vm0, $0xb8;
	[tilespmem:$0x1A000] =	vst v63  }
0x72: {  	s28 =	simm.s32 $0x200;
	s30 =	simm.s32 $0x11000;
	s31 =	simm.s32 $0x11800  }
0x73: {  	[tilespmem:s30], [sflag:$0x2] =	stream.indirect_vreg.gather [hbm4b:s19+s4], $0x80, v2, vm0, $0xb8;
	[tilespmem:$0x1A000] =	vst v63  }
0x74: {  	s3 =	simm.s32 $0x0;
	s21 =	simm.s32 $0xA000;
	s23 =	simm.s32 $0x0  }
0x75: {  	[tilespmem:s31], [sflag:$0x2] =	stream.indirect_vreg.gather [hbm4b:s20+s4], $0x80, v2, vm0, $0xb8;
	[tilespmem:$0x1A000] =	vst v63  }
.LBB2_2:
0x76: {  	s30 =	simm.s32 $0x1  }
0x77: {  	_ =	swait.ge [sflag:s30], $0x8000  }
0x78: {  	s31 =	sand.u32 $0x40, s23;
	s5 =	rddreg [dreg:$0x7];
	[sflag:s30] =	ssyncset.done $0x0  }
0x79: {  	s1 =	simm.s32 $0x200;
	s25 =	sadd.s32 s3, s5;
	s24 =	rddreg [dreg:$0x2]  }
0x7a: {  	p0 =	seq.s32 s3, $0x0;
	s5 =	sand.u32 $0xFFE000, s25;
	s31 =	sadd.s32 s24, s31  }
0x7b: {  	[sflag:s30] =	ssyncadd.s32 $0xFFFF8000;
	s30 =	simm.s32 $0x2000;
	s5 =	sadd.s32 s5, s31  }
0x7c: {  	[hbm4b:s5+s1] =	stream.strided.scatter [tilespmem:s30], [sflag:$0x4], $0x8000, s26, s1, $0x38;
	[tilespmem:$0x1A000] =	vst v63  }
0x7d: {  	s5 =	simm.s32 @!p0 $0x6  }
0x7e: {  	_ =	swait.ge @!p0 [sflag:s5], $0x8000  }
0x7f: {  	[sflag:s5] =	ssyncset.done @!p0 $0x0  }
0x80: {  	[sflag:s5] =	ssyncadd.s32 @!p0 $0xFFFF8000  }
0x81: {  	v2 =	vld.msk [tilespmem:s28+$0xFFFFFF00], $0xf;
	_ =	sdelay $0x4  }
0x82: {  	v3 =	vshll.u32 v2, $0x6  }
0x83: {  	v2 =	vand.u32 $0x7, v2;
	v3 =	vand.u32 $0xFFFFFE00, v3  }
0x84: {  	v2 =	vor.u32 v2, v3  }
0x85: {  	v2 =	vperm.xlane v2, v0;
	_ =	sdelay $0x1  }
0x86: {  	v2 =	vadd.s32 v1, v2;
	_ =	sdelay $0x3  }
0x87: {  	s0 =	simm.s32 $0x12000  }
0x88: {  	[tilespmem:s0], [sflag:$0x3] =	stream.indirect_vreg.gather [hbm4b:s2+s4], $0x80, v2, vm0, $0xb8;
	[tilespmem:$0x1A000] =	vst v63  }
0x89: {  	s0 =	simm.s32 $0x12800  }
0x8a: {  	[tilespmem:s0], [sflag:$0x3] =	stream.indirect_vreg.gather [hbm4b:s6+s4], $0x80, v2, vm0, $0xb8;
	[tilespmem:$0x1A000] =	vst v63  }
0x8b: {  	s22 =	simm.s32 $0x13000  }
0x8c: {  	[tilespmem:s22], [sflag:$0x3] =	stream.indirect_vreg.gather [hbm4b:s7+s4], $0x80, v2, vm0, $0xb8;
	[tilespmem:$0x1A000] =	vst v63  }
0x8d: {  	s0 =	simm.s32 $0x13800  }
0x8e: {  	[tilespmem:s0], [sflag:$0x3] =	stream.indirect_vreg.gather [hbm4b:s8+s4], $0x80, v2, vm0, $0xb8;
	[tilespmem:$0x1A000] =	vst v63  }
0x8f: {  	s22 =	simm.s32 $0x14000  }
0x90: {  	[tilespmem:s22], [sflag:$0x3] =	stream.indirect_vreg.gather [hbm4b:s9+s4], $0x80, v2, vm0, $0xb8;
	[tilespmem:$0x1A000] =	vst v63  }
0x91: {  	s0 =	simm.s32 $0x14800  }
0x92: {  	[tilespmem:s0], [sflag:$0x3] =	stream.indirect_vreg.gather [hbm4b:s10+s4], $0x80, v2, vm0, $0xb8;
	[tilespmem:$0x1A000] =	vst v63  }
0x93: {  	s22 =	simm.s32 $0x15000  }
0x94: {  	[tilespmem:s22], [sflag:$0x3] =	stream.indirect_vreg.gather [hbm4b:s11+s4], $0x80, v2, vm0, $0xb8;
	[tilespmem:$0x1A000] =	vst v63  }
0x95: {  	s0 =	simm.s32 $0x15800  }
0x96: {  	[tilespmem:s0], [sflag:$0x3] =	stream.indirect_vreg.gather [hbm4b:s12+s4], $0x80, v2, vm0, $0xb8;
	[tilespmem:$0x1A000] =	vst v63  }
0x97: {  	s22 =	simm.s32 $0x16000  }
0x98: {  	[tilespmem:s22], [sflag:$0x3] =	stream.indirect_vreg.gather [hbm4b:s13+s4], $0x80, v2, vm0, $0xb8;
	[tilespmem:$0x1A000] =	vst v63  }
0x99: {  	s0 =	simm.s32 $0x16800  }
0x9a: {  	[tilespmem:s0], [sflag:$0x3] =	stream.indirect_vreg.gather [hbm4b:s14+s4], $0x80, v2, vm0, $0xb8;
	[tilespmem:$0x1A000] =	vst v63  }
0x9b: {  	s22 =	simm.s32 $0x17000  }
0x9c: {  	[tilespmem:s22], [sflag:$0x3] =	stream.indirect_vreg.gather [hbm4b:s15+s4], $0x80, v2, vm0, $0xb8;
	[tilespmem:$0x1A000] =	vst v63  }
0x9d: {  	s0 =	simm.s32 $0x17800  }
0x9e: {  	[tilespmem:s0], [sflag:$0x3] =	stream.indirect_vreg.gather [hbm4b:s16+s4], $0x80, v2, vm0, $0xb8;
	[tilespmem:$0x1A000] =	vst v63  }
0x9f: {  	s22 =	simm.s32 $0x18000  }
0xa0: {  	[tilespmem:s22], [sflag:$0x3] =	stream.indirect_vreg.gather [hbm4b:s17+s4], $0x80, v2, vm0, $0xb8;
	[tilespmem:$0x1A000] =	vst v63  }
0xa1: {  	s0 =	simm.s32 $0x18800  }
0xa2: {  	[tilespmem:s0], [sflag:$0x3] =	stream.indirect_vreg.gather [hbm4b:s18+s4], $0x80, v2, vm0, $0xb8;
	[tilespmem:$0x1A000] =	vst v63  }
0xa3: {  	s22 =	simm.s32 $0x19000  }
0xa4: {  	[tilespmem:s22], [sflag:$0x3] =	stream.indirect_vreg.gather [hbm4b:s19+s4], $0x80, v2, vm0, $0xb8;
	[tilespmem:$0x1A000] =	vst v63  }
0xa5: {  	s0 =	simm.s32 $0x19800  }
0xa6: {  	[tilespmem:s0], [sflag:$0x3] =	stream.indirect_vreg.gather [hbm4b:s20+s4], $0x80, v2, vm0, $0xb8;
	[tilespmem:$0x1A000] =	vst v63  }
0xa7: {  	s5 =	sadd.s32 $0x1000, s25;
	s0 =	smov.u32 s20  }
0xa8: {  	s20 =	smov.u32 s19;
	s19 =	smov.u32 s18;
	s18 =	smov.u32 s17  }
0xa9: {  	s17 =	smov.u32 s16;
	s16 =	smov.u32 s15;
	s15 =	smov.u32 s14  }
0xaa: {  	s14 =	smov.u32 s13;
	s13 =	smov.u32 s12;
	s12 =	smov.u32 s11  }
0xab: {  	s11 =	smov.u32 s10;
	s10 =	smov.u32 s9;
	s9 =	smov.u32 s8  }
0xac: {  	s8 =	smov.u32 s7;
	s7 =	smov.u32 s6;
	s6 =	simm.s32 $0x2  }
0xad: {  	s22 =	smov.u32 s2;
	s2 =	sand.u32 $0x40, s29;
	_ =	swait.ge [sflag:s6], $0x8000  }
0xae: {  	s5 =	sand.u32 $0xFFE000, s5;
	s2 =	sadd.s32 s24, s2;
	[sflag:s6] =	ssyncset.done $0x0  }
0xaf: {  	s2 =	sadd.s32 s5, s2;
	[sflag:s6] =	ssyncadd.s32 $0xFFFF8000  }
0xb0: {  	[hbm4b:s2+s1] =	stream.strided.scatter [tilespmem:s21], [sflag:$0x5], $0x8000, s26, s1, $0x38;
	[tilespmem:$0x1A000] =	vst v63  }
0xb1: {  	s21 =	simm.s32 $0x4  }
0xb2: {  	_ =	swait.ge [sflag:s21], $0x8000  }
0xb3: {  	[sflag:s21] =	ssyncset.done $0x0  }
0xb4: {  	[sflag:s21] =	ssyncadd.s32 $0xFFFF8000  }
0xb5: {  	v2 =	vld.msk [tilespmem:s28+$0xFFFFFF80], $0xf;
	_ =	sdelay $0x4  }
0xb6: {  	v3 =	vshll.u32 v2, $0x6  }
0xb7: {  	v2 =	vand.u32 $0x7, v2;
	v3 =	vand.u32 $0xFFFFFE00, v3  }
0xb8: {  	v2 =	vor.u32 v2, v3  }
0xb9: {  	v2 =	vperm.xlane v2, v0;
	_ =	sdelay $0x1  }
0xba: {  	v2 =	vadd.s32 v1, v2;
	_ =	sdelay $0x1  }
0xbb: {  	s24 =	simm.s32 $0x2800;
	s6 =	smov.u32 s7;
	s7 =	smov.u32 s8  }
0xbc: {  	s8 =	smov.u32 s9;
	s9 =	smov.u32 s10;
	s10 =	smov.u32 s11  }
0xbd: {  	s11 =	smov.u32 s12;
	s12 =	smov.u32 s13;
	s13 =	smov.u32 s14  }
0xbe: {  	[tilespmem:s30], [sflag:$0x1] =	stream.indirect_vreg.gather [hbm4b:s22+s4], $0x80, v2, vm0, $0xb8;
	[tilespmem:$0x1A000] =	vst v63  }
0xbf: {  	s14 =	smov.u32 s15;
	s15 =	smov.u32 s16;
	s16 =	smov.u32 s17  }
0xc0: {  	[tilespmem:s24], [sflag:$0x1] =	stream.indirect_vreg.gather [hbm4b:s6+s4], $0x80, v2, vm0, $0xb8;
	[tilespmem:$0x1A000] =	vst v63  }
0xc1: {  	s17 =	smov.u32 s18;
	s18 =	smov.u32 s19;
	s30 =	simm.s32 $0x3000  }
0xc2: {  	[tilespmem:s30], [sflag:$0x1] =	stream.indirect_vreg.gather [hbm4b:s7+s4], $0x80, v2, vm0, $0xb8;
	[tilespmem:$0x1A000] =	vst v63  }
0xc3: {  	s19 =	smov.u32 s20;
	s20 =	smov.u32 s0;
	s0 =	simm.s32 $0x3800  }
0xc4: {  	[tilespmem:s0], [sflag:$0x1] =	stream.indirect_vreg.gather [hbm4b:s8+s4], $0x80, v2, vm0, $0xb8;
	[tilespmem:$0x1A000] =	vst v63  }
0xc5: {  	s5 =	simm.s32 $0x4000  }
0xc6: {  	[tilespmem:s5], [sflag:$0x1] =	stream.indirect_vreg.gather [hbm4b:s9+s4], $0x80, v2, vm0, $0xb8;
	[tilespmem:$0x1A000] =	vst v63  }
0xc7: {  	s21 =	simm.s32 $0x4800  }
0xc8: {  	[tilespmem:s21], [sflag:$0x1] =	stream.indirect_vreg.gather [hbm4b:s10+s4], $0x80, v2, vm0, $0xb8;
	[tilespmem:$0x1A000] =	vst v63  }
0xc9: {  	s24 =	simm.s32 $0x5000  }
0xca: {  	[tilespmem:s24], [sflag:$0x1] =	stream.indirect_vreg.gather [hbm4b:s11+s4], $0x80, v2, vm0, $0xb8;
	[tilespmem:$0x1A000] =	vst v63  }
0xcb: {  	s30 =	simm.s32 $0x5800  }
0xcc: {  	[tilespmem:s30], [sflag:$0x1] =	stream.indirect_vreg.gather [hbm4b:s12+s4], $0x80, v2, vm0, $0xb8;
	[tilespmem:$0x1A000] =	vst v63  }
0xcd: {  	s0 =	simm.s32 $0x6000  }
0xce: {  	[tilespmem:s0], [sflag:$0x1] =	stream.indirect_vreg.gather [hbm4b:s13+s4], $0x80, v2, vm0, $0xb8;
	[tilespmem:$0x1A000] =	vst v63  }
0xcf: {  	s5 =	simm.s32 $0x6800  }
0xd0: {  	[tilespmem:s5], [sflag:$0x1] =	stream.indirect_vreg.gather [hbm4b:s14+s4], $0x80, v2, vm0, $0xb8;
	[tilespmem:$0x1A000] =	vst v63  }
0xd1: {  	s21 =	simm.s32 $0x7000  }
0xd2: {  	[tilespmem:s21], [sflag:$0x1] =	stream.indirect_vreg.gather [hbm4b:s15+s4], $0x80, v2, vm0, $0xb8;
	[tilespmem:$0x1A000] =	vst v63  }
0xd3: {  	s24 =	simm.s32 $0x7800  }
0xd4: {  	[tilespmem:s24], [sflag:$0x1] =	stream.indirect_vreg.gather [hbm4b:s16+s4], $0x80, v2, vm0, $0xb8;
	[tilespmem:$0x1A000] =	vst v63  }
0xd5: {  	s30 =	simm.s32 $0x8000  }
0xd6: {  	[tilespmem:s30], [sflag:$0x1] =	stream.indirect_vreg.gather [hbm4b:s17+s4], $0x80, v2, vm0, $0xb8;
	[tilespmem:$0x1A000] =	vst v63  }
0xd7: {  	s0 =	simm.s32 $0x8800  }
0xd8: {  	[tilespmem:s0], [sflag:$0x1] =	stream.indirect_vreg.gather [hbm4b:s18+s4], $0x80, v2, vm0, $0xb8;
	[tilespmem:$0x1A000] =	vst v63  }
0xd9: {  	s5 =	simm.s32 $0x9000  }
0xda: {  	[tilespmem:s5], [sflag:$0x1] =	stream.indirect_vreg.gather [hbm4b:s19+s4], $0x80, v2, vm0, $0xb8;
	[tilespmem:$0x1A000] =	vst v63  }
0xdb: {  	p0 =	seq.s32 s3, $0x3C000;
	s21 =	simm.s32 $0x9800;
	s30 =	sadd.s32 $0x2000, s25  }
0xdc: {  	[tilespmem:s21], [sflag:$0x1] =	stream.indirect_vreg.gather [hbm4b:s20+s4], $0x80, v2, vm0, $0xb8;
	[tilespmem:$0x1A000] =	vst v63  }
.Ltmp2:
0xdd: {  	s24 =	simm.s32 $0x3;
	s2 =	sand.u32 $0xFFE000, s30;
	(pc) =	sbr.rel @p0 .LBB2_4-.Ltmp2, $4  }
0xde: {  	s2 =	sadd.s32 s2, s31;
	_ =	swait.ge [sflag:s24], $0x8000  }
0xdf: {  	s31 =	simm.s32 $0x12000;
	s5 =	simm.s32 $0xA000;
	[sflag:s24] =	ssyncset.done $0x0  }
0xe0: {  	s21 =	simm.s32 $0x200;
	[sflag:s24] =	ssyncadd.s32 $0xFFFF8000;
	s24 =	simm.s32 $0x400  }
0xe1: {  	[hbm4b:s2+s1] =	stream.strided.scatter [tilespmem:s31], [sflag:$0x6], $0x8000, s26, s1, $0x38;
	[tilespmem:$0x1A000] =	vst v63  }
0xe2: {  	s0 =	simm.s32 $0x5  }
0xe3: {  	_ =	swait.ge [sflag:s0], $0x8000  }
0xe4: {  	[sflag:s0] =	ssyncset.done $0x0  }
0xe5: {  	[sflag:s0] =	ssyncadd.s32 $0xFFFF8000  }
0xe6: {  	v2 =	vld.msk [tilespmem:s28+$0x0], $0xf;
	_ =	sdelay $0x4  }
0xe7: {  	v3 =	vshll.u32 v2, $0x6  }
0xe8: {  	v2 =	vand.u32 $0x7, v2;
	v3 =	vand.u32 $0xFFFFFE00, v3  }
0xe9: {  	v2 =	vor.u32 v2, v3  }
0xea: {  	v2 =	vperm.xlane v2, v0;
	_ =	sdelay $0x1  }
0xeb: {  	v2 =	vadd.s32 v1, v2;
	_ =	sdelay $0x4  }
0xec: {  	[tilespmem:s5], [sflag:$0x2] =	stream.indirect_vreg.gather [hbm4b:s22+s4], $0x80, v2, vm0, $0xb8;
	[tilespmem:$0x1A000] =	vst v63  }
0xed: {  	s2 =	simm.s32 $0xA800  }
0xee: {  	[tilespmem:s2], [sflag:$0x2] =	stream.indirect_vreg.gather [hbm4b:s6+s4], $0x80, v2, vm0, $0xb8;
	[tilespmem:$0x1A000] =	vst v63  }
0xef: {  	s5 =	simm.s32 $0xB000  }
0xf0: {  	[tilespmem:s5], [sflag:$0x2] =	stream.indirect_vreg.gather [hbm4b:s7+s4], $0x80, v2, vm0, $0xb8;
	[tilespmem:$0x1A000] =	vst v63  }
0xf1: {  	s21 =	simm.s32 $0xB800  }
0xf2: {  	[tilespmem:s21], [sflag:$0x2] =	stream.indirect_vreg.gather [hbm4b:s8+s4], $0x80, v2, vm0, $0xb8;
	[tilespmem:$0x1A000] =	vst v63  }
0xf3: {  	s24 =	simm.s32 $0xC000  }
0xf4: {  	[tilespmem:s24], [sflag:$0x2] =	stream.indirect_vreg.gather [hbm4b:s9+s4], $0x80, v2, vm0, $0xb8;
	[tilespmem:$0x1A000] =	vst v63  }
0xf5: {  	s25 =	simm.s32 $0xC800  }
0xf6: {  	[tilespmem:s25], [sflag:$0x2] =	stream.indirect_vreg.gather [hbm4b:s10+s4], $0x80, v2, vm0, $0xb8;
	[tilespmem:$0x1A000] =	vst v63  }
0xf7: {  	s30 =	simm.s32 $0xD000  }
0xf8: {  	[tilespmem:s30], [sflag:$0x2] =	stream.indirect_vreg.gather [hbm4b:s11+s4], $0x80, v2, vm0, $0xb8;
	[tilespmem:$0x1A000] =	vst v63  }
0xf9: {  	s31 =	simm.s32 $0xD800  }
0xfa: {  	[tilespmem:s31], [sflag:$0x2] =	stream.indirect_vreg.gather [hbm4b:s12+s4], $0x80, v2, vm0, $0xb8;
	[tilespmem:$0x1A000] =	vst v63  }
0xfb: {  	s0 =	simm.s32 $0xE000  }
0xfc: {  	[tilespmem:s0], [sflag:$0x2] =	stream.indirect_vreg.gather [hbm4b:s13+s4], $0x80, v2, vm0, $0xb8;
	[tilespmem:$0x1A000] =	vst v63  }
0xfd: {  	s1 =	simm.s32 $0xE800  }
0xfe: {  	[tilespmem:s1], [sflag:$0x2] =	stream.indirect_vreg.gather [hbm4b:s14+s4], $0x80, v2, vm0, $0xb8;
	[tilespmem:$0x1A000] =	vst v63  }
0xff: {  	s5 =	simm.s32 $0xF000  }
0x100: {  	[tilespmem:s5], [sflag:$0x2] =	stream.indirect_vreg.gather [hbm4b:s15+s4], $0x80, v2, vm0, $0xb8;
	[tilespmem:$0x1A000] =	vst v63  }
0x101: {  	s21 =	simm.s32 $0xF800  }
0x102: {  	[tilespmem:s21], [sflag:$0x2] =	stream.indirect_vreg.gather [hbm4b:s16+s4], $0x80, v2, vm0, $0xb8;
	[tilespmem:$0x1A000] =	vst v63  }
0x103: {  	s24 =	simm.s32 $0x10000  }
0x104: {  	[tilespmem:s24], [sflag:$0x2] =	stream.indirect_vreg.gather [hbm4b:s17+s4], $0x80, v2, vm0, $0xb8;
	[tilespmem:$0x1A000] =	vst v63  }
0x105: {  	s25 =	simm.s32 $0x10800  }
0x106: {  	[tilespmem:s25], [sflag:$0x2] =	stream.indirect_vreg.gather [hbm4b:s18+s4], $0x80, v2, vm0, $0xb8;
	[tilespmem:$0x1A000] =	vst v63  }
.Ltmp3:
0x107: {  	s23 =	sadd.s32 $0x40, s23;
	s3 =	sadd.s32 $0x3000, s3;
	(pc) =	sbr.rel .LBB2_2-.Ltmp3, $4  }
0x108: {  	s29 =	sadd.s32 $0xC0, s29;
	s28 =	sadd.s32 $0x180, s28;
	s30 =	simm.s32 $0x11000  }
0x109: {  	[tilespmem:s30], [sflag:$0x2] =	stream.indirect_vreg.gather [hbm4b:s19+s4], $0x80, v2, vm0, $0xb8;
	[tilespmem:$0x1A000] =	vst v63  }
0x10a: {  	s2 =	smov.u32 s22;
	s31 =	simm.s32 $0x11800;
	s21 =	simm.s32 $0xA000  }
0x10b: {  	[tilespmem:s31], [sflag:$0x2] =	stream.indirect_vreg.gather [hbm4b:s20+s4], $0x80, v2, vm0, $0xb8;
	[tilespmem:$0x1A000] =	vst v63  }
.LBB2_5:
0x10c: {  	_ =	sfence.sel $0x180000  }
0x10d: {  	[bflag:$0x0] =	sbarrier.arrive $0xFFFF  }
0x10e: {  	_ =	strace $0x90000047  }
0x10f: {  	s0 =	stileid.u32;
	[bflag:$0x2] =	sbarrier.arrive $0xFFFF  }
0x110: {  	p0 =	sne.s32 s0, $0x0;
	s0 =	rddreg [dreg:$0x3]  }
0x111: {  	s0 =	sadd.s32 @!p0 $0x100000, s0  }
0x112: {  	[sflag:s0] =	ssyncadd.tile.s32 @!p0 $0x1;
	_ =	shalt  }
.Lfunc_end2:
_tile_overlayer_lowered:
.L_overlay_start_2:
0x113: {  	(tag) =	ssettag $0x2  }
0x114: {  	s0 =	rddreg [dreg:$0x0];
	s2 =	stileid.u32  }
0x115: {  	s1 =	rddreg [dreg:$0x1];
	p0 =	sne.s32 s2, $0x0  }
0x116: {  	s3 =	rddreg [dreg:$0x2];
	[bflag:$0x3] =	sbarrier.arrive $0xFFFF;
	s2 =	simm.s32 @!p0 $0x1C07  }
0x117: {  	[timem:s3], [sflag:s2] =	dma.local @!p0 [hbm:s0], s1  }
0x118: {  	s0 =	simm.s32 @!p0 $0x7  }
0x119: {  	_ =	swait.ge @!p0 [sflag:s0], s1  }
0x11a: {  	s1 =	ssub.s32 @!p0 $0x0, s1;
	[sflag:s0] =	ssyncset.done @!p0 $0x0  }
0x11b: {  	[sflag:s0] =	ssyncadd.s32 @!p0 s1  }
0x11c: {  	[bflag:$0x3] =	sbarrier.arrive $0xFFFF  }
0x11d: {  	_ =	shalt  }

</sc_bundles>
